<compile_context>
chip_gen: v7x
topology: tpu7x:2x2x1
jax: 0.10.2.dev20260603
libtpu: 0.0.44.dev20260713+nightly
codegen_flags: <defaults>
</compile_context>

<pallas_src>
import functools

import jax
import jax.numpy as jnp
from jax import lax
from jax.experimental import pallas as pl
from jax.experimental.pallas import tpu as pltpu
from jax.experimental.pallas import tpu_sc as plsc

N_PAPER = 10000
N_AUTHOR = 10000
E = 320000
D = 128
H = 256
C = 349

NC = 2
NS = 16
AW = 144
CHUNK = 125
GCH = 8
NGRP = E // (NS * CHUNK * GCH)
ROWS_PER_TILE = 640
ACC_ROWS = NS * ROWS_PER_TILE


def _sc_aggregate(xaug, srcs, dsts, zeros):
    mesh = plsc.VectorSubcoreMesh(core_axis_name="c", subcore_axis_name="s")

    @functools.partial(
        pl.kernel,
        mesh=mesh,
        out_type=jax.ShapeDtypeStruct((NC * NS, ROWS_PER_TILE, AW), jnp.float32),
        scratch_types=[
            pltpu.VMEM((GCH, CHUNK), jnp.int32),
            pltpu.VMEM((GCH, CHUNK), jnp.int32),
            pltpu.VMEM((CHUNK, AW), jnp.float32),
            pltpu.VMEM_SHARED((ACC_ROWS, AW), jnp.float32),
            pltpu.SemaphoreType.DMA,
        ],
        compiler_params=pltpu.CompilerParams(use_tc_tiling_on_sc=False),
    )
    def k(xaug_hbm, srcs_hbm, dsts_hbm, zeros_hbm, out_hbm,
          src_v, dst_v, rows_v, acc, sem):
        cid = lax.axis_index("c")
        sid = lax.axis_index("s")
        wid = cid * NS + sid
        pltpu.sync_copy(zeros_hbm, acc.at[pl.ds(sid * ROWS_PER_TILE, ROWS_PER_TILE)])
        plsc.subcore_barrier()

        def grp_body(g, carry):
            pltpu.sync_copy(srcs_hbm.at[wid * NGRP + g], src_v)
            pltpu.sync_copy(dsts_hbm.at[wid * NGRP + g], dst_v)

            def body(cix, carry2):
                pltpu.async_copy(xaug_hbm.at[src_v.at[cix]], rows_v, sem).wait()
                pltpu.sync_copy(rows_v, acc.at[dst_v.at[cix]], add=True)
                return carry2

            return lax.fori_loop(0, GCH, body, carry, unroll=False)

        lax.fori_loop(0, NGRP, grp_body, 0, unroll=False)
        plsc.subcore_barrier()
        pltpu.sync_copy(acc.at[pl.ds(sid * ROWS_PER_TILE, ROWS_PER_TILE)],
                        out_hbm.at[wid])

    return k(xaug, srcs, dsts, zeros)


def _dense_body(x_ref, pc_ref, pw_ref, w1_ref, b1_ref, w2_ref, b2_ref, o_ref):
    pc = pc_ref[...]
    pw = pw_ref[...]
    agg_c = pc[:, :D] / jnp.maximum(pc[:, D:D + 1], 1.0)
    agg_w = pw[:, :D] / jnp.maximum(pw[:, D:D + 1], 1.0)
    xin = jnp.concatenate([x_ref[...], agg_c, agg_w], axis=1)
    h = jnp.dot(xin, w1_ref[...], preferred_element_type=jnp.float32) + b1_ref[...]
    h = jnp.maximum(h, 0.0)
    o_ref[...] = jnp.dot(h, w2_ref[...], preferred_element_type=jnp.float32) + b2_ref[...]


def kernel(x_paper, x_author, ei_cites, ei_writes, W_self, W_cites, W_writes,
           b_enc, W_head, b_head):
    ones = jnp.ones((N_PAPER, 1), jnp.float32)
    pad = jnp.zeros((N_PAPER, AW - D - 1), jnp.float32)
    xaug = jnp.concatenate([
        jnp.concatenate([x_paper, ones, pad], axis=1),
        jnp.concatenate([x_author, ones, pad], axis=1),
    ], axis=0)
    srcs = jnp.concatenate([ei_cites[0], ei_writes[0] + N_PAPER]
                           ).reshape(NC * NS * NGRP, GCH, CHUNK)
    dsts = jnp.concatenate([ei_cites[1], ei_writes[1]]
                           ).reshape(NC * NS * NGRP, GCH, CHUNK)
    zeros = jnp.zeros((ROWS_PER_TILE, AW), jnp.float32)

    parts = _sc_aggregate(xaug, srcs, dsts, zeros)
    part_c = parts[:NS].reshape(ACC_ROWS, AW)[:N_PAPER]
    part_w = parts[NS:].reshape(ACC_ROWS, AW)[:N_PAPER]

    W1 = jnp.concatenate([W_self, W_cites, W_writes], axis=0)
    b1 = b_enc.reshape(1, H)
    b2 = b_head.reshape(1, C)

    BR = 1000
    out = pl.pallas_call(
        _dense_body,
        grid=(N_PAPER // BR,),
        in_specs=[
            pl.BlockSpec((BR, D), lambda i: (i, 0)),
            pl.BlockSpec((BR, AW), lambda i: (i, 0)),
            pl.BlockSpec((BR, AW), lambda i: (i, 0)),
            pl.BlockSpec((3 * D, H), lambda i: (0, 0)),
            pl.BlockSpec((1, H), lambda i: (0, 0)),
            pl.BlockSpec((H, C), lambda i: (0, 0)),
            pl.BlockSpec((1, C), lambda i: (0, 0)),
        ],
        out_specs=pl.BlockSpec((BR, C), lambda i: (i, 0)),
        out_shape=jax.ShapeDtypeStruct((N_PAPER, C), jnp.float32),
    )(x_paper, part_c, part_w, W1, b1, W_head, b2)
    return out

# --- scband reference (transcript-rebuilt; emitter-appended) ---
"""Pipeline reference for scband-graph-sagemodel-54863912239768 (READ-ONLY COPY).

The authoritative reference and input builder live on the scoring server;
editing this copy changes nothing except your own understanding.
"""

import jax, jax.numpy as jnp
import numpy as np

N_PAPER = 10000
N_AUTHOR = 10000
E = 320000
D = 128
H = 256
C = 349


def setup_inputs(seed: int = 0) -> dict:
    key = jax.random.key(seed)
    ks = jax.random.split(key, 12)
    inp = {}
    inp["x_paper"] = jax.random.normal(ks[0], (N_PAPER, D), dtype=jnp.float32)
    inp["x_author"] = jax.random.normal(ks[1], (N_AUTHOR, D), dtype=jnp.float32)
    # row 0 = src indices, row 1 = dst indices
    inp["ei_cites"] = jax.random.randint(ks[2], (2, E), 0, N_PAPER, dtype=jnp.int32)
    inp["ei_writes"] = jax.random.randint(ks[3], (2, E), 0, N_PAPER, dtype=jnp.int32)
    # frozen hetero-SAGE encoder params (one layer, mean aggregation)
    s = 1.0 / np.sqrt(D)
    inp["W_self"] = jax.random.uniform(ks[4], (D, H), jnp.float32, -s, s)
    inp["W_cites"] = jax.random.uniform(ks[5], (D, H), jnp.float32, -s, s)
    inp["W_writes"] = jax.random.uniform(ks[6], (D, H), jnp.float32, -s, s)
    inp["b_enc"] = jnp.zeros((H,), jnp.float32)
    sh = 1.0 / np.sqrt(H)
    inp["W_head"] = jax.random.uniform(ks[7], (H, C), jnp.float32, -sh, sh)
    inp["b_head"] = jnp.zeros((C,), jnp.float32)
    return inp


def _mean_agg(src_x, ei, n_dst):
    src = ei[0]
    dst = ei[1]
    msgs = jnp.take(src_x, src, axis=0)                      # gather src features per edge
    summed = jax.ops.segment_sum(msgs, dst, num_segments=n_dst)  # scatter-add to dst
    ones = jnp.ones((ei.shape[1], 1), jnp.float32)
    cnt = jax.ops.segment_sum(ones, dst, num_segments=n_dst)
    return summed / jnp.maximum(cnt, 1.0)


def reference(x_paper, x_author, ei_cites, ei_writes, W_self, W_cites, W_writes, b_enc, W_head, b_head):
    # hetero GraphSAGE encoder layer: mean-aggregate per edge type, sum relations + self term
    agg_c = _mean_agg(x_paper, ei_cites, N_PAPER)   # paper -cites-> paper
    agg_w = _mean_agg(x_author, ei_writes, N_PAPER)  # author -writes-> paper
    h_paper = x_paper @ W_self + agg_c @ W_cites + agg_w @ W_writes + b_enc
    h_paper = jax.nn.relu(h_paper)
    # classification head on 'paper' nodes
    out = h_paper @ W_head + b_head
    return out

if __name__ == "__main__":
    import jax
    _d = setup_inputs()
    print(jax.jit(kernel)(*tuple(_d.values())))

</pallas_src>

<mosaic_0001>
#map = affine_map<(d0, d1) -> (0, 0)>
#map1 = affine_map<(d0, d1) -> (0, 0, 0)>
module attributes {stable_mosaic.version = 14 : i64} {
  func.func @k(%arg0: i32, %arg1: i32, %arg2: memref<20000x144xf32, #tpu.memory_space<hbm>>, %arg3: memref<640x8x125xi32, #tpu.memory_space<hbm>>, %arg4: memref<640x8x125xi32, #tpu.memory_space<hbm>>, %arg5: memref<640x144xf32, #tpu.memory_space<hbm>>, %arg6: memref<32x640x144xf32, #tpu.memory_space<hbm>>, %arg7: memref<8x125xi32, #tpu.memory_space<vmem>>, %arg8: memref<8x125xi32, #tpu.memory_space<vmem>>, %arg9: memref<125x144xf32, #tpu.memory_space<vmem>>, %arg10: memref<10240x144xf32, #tpu.memory_space<vmem_shared>>, %arg11: memref<!tpu.dma_semaphore, #tpu.memory_space<semaphore_mem>>) attributes {dimension_semantics = [#tpu.dimension_semantics<core_parallel>, #tpu.dimension_semantics<subcore_parallel>], iteration_bounds = array<i64: 2, 16>, scalar_prefetch = 0 : i64, scratch_operands = 5 : i64, tpu.core_type = #tpu.core_type<sc_vector_subcore>, window_params = [{transform_indices = #map}, {transform_indices = #map1}, {transform_indices = #map1}, {transform_indices = #map}, {transform_indices = #map1}]} {
    %mul3A = arith.constant 16 : i32
    %mul3A_0 = arith.muli %arg0, %mul3A : i32
    %add3A = arith.addi %mul3A_0, %arg1 : i32
    %mul3A_1 = arith.constant 640 : i32
    %mul3A_2 = arith.muli %arg1, %mul3A_1 : i32
    "tpu.region"() ({
      %run_scoped3A = tpu.sem_alloc : memref<!tpu.dma_semaphore, #tpu.memory_space<semaphore_mem>>
      %dma_start3A = arith.constant 0 : i32
      %dma_start3A_11 = tpu.memref_slice %arg10[%mul3A_2, %dma_start3A] : memref<10240x144xf32, #tpu.memory_space<vmem_shared>> -> memref<640x144xf32, #tpu.memory_space<vmem_shared>>
      tpu.enqueue_dma source(%arg5 : memref<640x144xf32, #tpu.memory_space<hbm>>) target(%dma_start3A_11 : memref<640x144xf32, #tpu.memory_space<vmem_shared>>) target_semaphore(%run_scoped3A : memref<!tpu.dma_semaphore, #tpu.memory_space<semaphore_mem>>)
      %dma_wait3A = arith.constant 0 : i32
      %dma_wait3A_12 = tpu.memref_slice %arg10[%mul3A_2, %dma_wait3A] : memref<10240x144xf32, #tpu.memory_space<vmem_shared>> -> memref<640x144xf32, #tpu.memory_space<vmem_shared>>
      tpu.wait_dma2 semaphore(%run_scoped3A : memref<!tpu.dma_semaphore, #tpu.memory_space<semaphore_mem>>) src(%arg5 : memref<640x144xf32, #tpu.memory_space<hbm>>) dst(%dma_wait3A_12 : memref<640x144xf32, #tpu.memory_space<vmem_shared>>)
      tpu.yield
    }) : () -> ()
    %barrier3A = arith.constant 0 : index
    tpu.barrier barrier_id(%barrier3A)
    %scan3A = arith.constant 0 : i32
    %scan3A_3 = arith.constant 0 : i32
    %scan3A_4 = arith.constant 20 : i32
    %scan3A_5 = arith.addi %scan3A_3, %scan3A_4 : i32
    %scan3A_6 = arith.constant 1 : i32
    scf.for %scan3A_11 = %scan3A_3 to %scan3A_5 step %scan3A_6  : i32 {
      %mul3A_12 = arith.constant 20 : i32
      %mul3A_13 = arith.muli %add3A, %mul3A_12 : i32
      %add3A_14 = arith.addi %mul3A_13, %scan3A_11 : i32
      "tpu.region"() ({
        %run_scoped3A = tpu.sem_alloc : memref<!tpu.dma_semaphore, #tpu.memory_space<semaphore_mem>>
        %dma_start3A = arith.constant 0 : i32
        %dma_start3A_23 = arith.constant 0 : i32
        %dma_start3A_24 = tpu.memref_slice %arg3[%add3A_14, %dma_start3A, %dma_start3A_23] : memref<640x8x125xi32, #tpu.memory_space<hbm>> -> memref<1x8x125xi32, #tpu.memory_space<hbm>>
        %dma_start3A_25 = tpu.memref_squeeze %dma_start3A_24 : memref<1x8x125xi32, #tpu.memory_space<hbm>> -> memref<8x125xi32, #tpu.memory_space<hbm>>
        %dma_start3A_26 = arith.constant 0 : i32
        %dma_start3A_27 = arith.constant 0 : i32
        %dma_start3A_28 = tpu.memref_slice %arg3[%add3A_14, %dma_start3A_26, %dma_start3A_27] : memref<640x8x125xi32, #tpu.memory_space<hbm>> -> memref<1x8x125xi32, #tpu.memory_space<hbm>>
        %dma_start3A_29 = tpu.memref_squeeze %dma_start3A_28 : memref<1x8x125xi32, #tpu.memory_space<hbm>> -> memref<8x125xi32, #tpu.memory_space<hbm>>
        tpu.enqueue_dma source(%dma_start3A_29 : memref<8x125xi32, #tpu.memory_space<hbm>>) target(%arg7 : memref<8x125xi32, #tpu.memory_space<vmem>>) target_semaphore(%run_scoped3A : memref<!tpu.dma_semaphore, #tpu.memory_space<semaphore_mem>>)
        %dma_wait3A = arith.constant 0 : i32
        %dma_wait3A_30 = arith.constant 0 : i32
        %dma_wait3A_31 = tpu.memref_slice %arg3[%add3A_14, %dma_wait3A, %dma_wait3A_30] : memref<640x8x125xi32, #tpu.memory_space<hbm>> -> memref<1x8x125xi32, #tpu.memory_space<hbm>>
        %dma_wait3A_32 = tpu.memref_squeeze %dma_wait3A_31 : memref<1x8x125xi32, #tpu.memory_space<hbm>> -> memref<8x125xi32, #tpu.memory_space<hbm>>
        %dma_wait3A_33 = arith.constant 0 : i32
        %dma_wait3A_34 = arith.constant 0 : i32
        %dma_wait3A_35 = tpu.memref_slice %arg3[%add3A_14, %dma_wait3A_33, %dma_wait3A_34] : memref<640x8x125xi32, #tpu.memory_space<hbm>> -> memref<1x8x125xi32, #tpu.memory_space<hbm>>
        %dma_wait3A_36 = tpu.memref_squeeze %dma_wait3A_35 : memref<1x8x125xi32, #tpu.memory_space<hbm>> -> memref<8x125xi32, #tpu.memory_space<hbm>>
        tpu.wait_dma2 semaphore(%run_scoped3A : memref<!tpu.dma_semaphore, #tpu.memory_space<semaphore_mem>>) src(%dma_wait3A_36 : memref<8x125xi32, #tpu.memory_space<hbm>>) dst(%arg7 : memref<8x125xi32, #tpu.memory_space<vmem>>)
        tpu.yield
      }) : () -> ()
      %mul3A_15 = arith.constant 20 : i32
      %mul3A_16 = arith.muli %add3A, %mul3A_15 : i32
      %add3A_17 = arith.addi %mul3A_16, %scan3A_11 : i32
      "tpu.region"() ({
        %run_scoped3A = tpu.sem_alloc : memref<!tpu.dma_semaphore, #tpu.memory_space<semaphore_mem>>
        %dma_start3A = arith.constant 0 : i32
        %dma_start3A_23 = arith.constant 0 : i32
        %dma_start3A_24 = tpu.memref_slice %arg4[%add3A_17, %dma_start3A, %dma_start3A_23] : memref<640x8x125xi32, #tpu.memory_space<hbm>> -> memref<1x8x125xi32, #tpu.memory_space<hbm>>
        %dma_start3A_25 = tpu.memref_squeeze %dma_start3A_24 : memref<1x8x125xi32, #tpu.memory_space<hbm>> -> memref<8x125xi32, #tpu.memory_space<hbm>>
        %dma_start3A_26 = arith.constant 0 : i32
        %dma_start3A_27 = arith.constant 0 : i32
        %dma_start3A_28 = tpu.memref_slice %arg4[%add3A_17, %dma_start3A_26, %dma_start3A_27] : memref<640x8x125xi32, #tpu.memory_space<hbm>> -> memref<1x8x125xi32, #tpu.memory_space<hbm>>
        %dma_start3A_29 = tpu.memref_squeeze %dma_start3A_28 : memref<1x8x125xi32, #tpu.memory_space<hbm>> -> memref<8x125xi32, #tpu.memory_space<hbm>>
        tpu.enqueue_dma source(%dma_start3A_29 : memref<8x125xi32, #tpu.memory_space<hbm>>) target(%arg8 : memref<8x125xi32, #tpu.memory_space<vmem>>) target_semaphore(%run_scoped3A : memref<!tpu.dma_semaphore, #tpu.memory_space<semaphore_mem>>)
        %dma_wait3A = arith.constant 0 : i32
        %dma_wait3A_30 = arith.constant 0 : i32
        %dma_wait3A_31 = tpu.memref_slice %arg4[%add3A_17, %dma_wait3A, %dma_wait3A_30] : memref<640x8x125xi32, #tpu.memory_space<hbm>> -> memref<1x8x125xi32, #tpu.memory_space<hbm>>
        %dma_wait3A_32 = tpu.memref_squeeze %dma_wait3A_31 : memref<1x8x125xi32, #tpu.memory_space<hbm>> -> memref<8x125xi32, #tpu.memory_space<hbm>>
        %dma_wait3A_33 = arith.constant 0 : i32
        %dma_wait3A_34 = arith.constant 0 : i32
        %dma_wait3A_35 = tpu.memref_slice %arg4[%add3A_17, %dma_wait3A_33, %dma_wait3A_34] : memref<640x8x125xi32, #tpu.memory_space<hbm>> -> memref<1x8x125xi32, #tpu.memory_space<hbm>>
        %dma_wait3A_36 = tpu.memref_squeeze %dma_wait3A_35 : memref<1x8x125xi32, #tpu.memory_space<hbm>> -> memref<8x125xi32, #tpu.memory_space<hbm>>
        tpu.wait_dma2 semaphore(%run_scoped3A : memref<!tpu.dma_semaphore, #tpu.memory_space<semaphore_mem>>) src(%dma_wait3A_36 : memref<8x125xi32, #tpu.memory_space<hbm>>) dst(%arg8 : memref<8x125xi32, #tpu.memory_space<vmem>>)
        tpu.yield
      }) : () -> ()
      %scan3A_18 = arith.constant 0 : i32
      %scan3A_19 = arith.constant 8 : i32
      %scan3A_20 = arith.addi %scan3A_18, %scan3A_19 : i32
      %scan3A_21 = arith.constant 1 : i32
      scf.for %scan3A_23 = %scan3A_18 to %scan3A_20 step %scan3A_21  : i32 {
        %dma_start3A = arith.constant 0 : i32
        %dma_start3A_24 = tpu.memref_slice %arg7[%scan3A_23, %dma_start3A] : memref<8x125xi32, #tpu.memory_space<vmem>> -> memref<1x125xi32, #tpu.memory_space<vmem>>
        %dma_start3A_25 = tpu.memref_squeeze %dma_start3A_24 : memref<1x125xi32, #tpu.memory_space<vmem>> -> memref<125xi32, #tpu.memory_space<vmem>>
        %dma_start3A_26 = arith.constant 0 : i32
        %dma_start3A_27 = arith.constant 0 : i32
        %dma_start3A_28 = tpu.memref_slice %arg2[%dma_start3A_26, %dma_start3A_27] : memref<20000x144xf32, #tpu.memory_space<hbm>> -> memref<20000x144xf32, #tpu.memory_space<hbm>>
        tpu.enqueue_indirect_dma source(%dma_start3A_28 : memref<20000x144xf32, #tpu.memory_space<hbm>>) target(%arg9 : memref<125x144xf32, #tpu.memory_space<vmem>>) offsets(%dma_start3A_25 : memref<125xi32, #tpu.memory_space<vmem>>) semaphore(%arg11 : memref<!tpu.dma_semaphore, #tpu.memory_space<semaphore_mem>>)
        %dma_wait3A = arith.constant 0 : i32
        %dma_wait3A_29 = tpu.memref_slice %arg7[%scan3A_23, %dma_wait3A] : memref<8x125xi32, #tpu.memory_space<vmem>> -> memref<1x125xi32, #tpu.memory_space<vmem>>
        %dma_wait3A_30 = tpu.memref_squeeze %dma_wait3A_29 : memref<1x125xi32, #tpu.memory_space<vmem>> -> memref<125xi32, #tpu.memory_space<vmem>>
        %dma_wait3A_31 = arith.constant 0 : i32
        %dma_wait3A_32 = arith.constant 0 : i32
        %dma_wait3A_33 = tpu.memref_slice %arg2[%dma_wait3A_31, %dma_wait3A_32] : memref<20000x144xf32, #tpu.memory_space<hbm>> -> memref<20000x144xf32, #tpu.memory_space<hbm>>
        tpu.wait_indirect_dma semaphore(%arg11 : memref<!tpu.dma_semaphore, #tpu.memory_space<semaphore_mem>>) src(%dma_wait3A_33 : memref<20000x144xf32, #tpu.memory_space<hbm>>) dst(%arg9 : memref<125x144xf32, #tpu.memory_space<vmem>>)
        "tpu.region"() ({
          %run_scoped3A = tpu.sem_alloc : memref<!tpu.dma_semaphore, #tpu.memory_space<semaphore_mem>>
          %dma_start3A_34 = arith.constant 0 : i32
          %dma_start3A_35 = tpu.memref_slice %arg8[%scan3A_23, %dma_start3A_34] : memref<8x125xi32, #tpu.memory_space<vmem>> -> memref<1x125xi32, #tpu.memory_space<vmem>>
          %dma_start3A_36 = tpu.memref_squeeze %dma_start3A_35 : memref<1x125xi32, #tpu.memory_space<vmem>> -> memref<125xi32, #tpu.memory_space<vmem>>
          %dma_start3A_37 = arith.constant 0 : i32
          %dma_start3A_38 = arith.constant 0 : i32
          %dma_start3A_39 = tpu.memref_slice %arg10[%dma_start3A_37, %dma_start3A_38] : memref<10240x144xf32, #tpu.memory_space<vmem_shared>> -> memref<10240x144xf32, #tpu.memory_space<vmem_shared>>
          tpu.enqueue_indirect_dma source(%arg9 : memref<125x144xf32, #tpu.memory_space<vmem>>) target(%dma_start3A_39 : memref<10240x144xf32, #tpu.memory_space<vmem_shared>>) offsets(%dma_start3A_36 : memref<125xi32, #tpu.memory_space<vmem>>) semaphore(%run_scoped3A : memref<!tpu.dma_semaphore, #tpu.memory_space<semaphore_mem>>) {add = true}
          %dma_wait3A_40 = arith.constant 0 : i32
          %dma_wait3A_41 = tpu.memref_slice %arg8[%scan3A_23, %dma_wait3A_40] : memref<8x125xi32, #tpu.memory_space<vmem>> -> memref<1x125xi32, #tpu.memory_space<vmem>>
          %dma_wait3A_42 = tpu.memref_squeeze %dma_wait3A_41 : memref<1x125xi32, #tpu.memory_space<vmem>> -> memref<125xi32, #tpu.memory_space<vmem>>
          %dma_wait3A_43 = arith.constant 0 : i32
          %dma_wait3A_44 = arith.constant 0 : i32
          %dma_wait3A_45 = tpu.memref_slice %arg10[%dma_wait3A_43, %dma_wait3A_44] : memref<10240x144xf32, #tpu.memory_space<vmem_shared>> -> memref<10240x144xf32, #tpu.memory_space<vmem_shared>>
          tpu.wait_indirect_dma semaphore(%run_scoped3A : memref<!tpu.dma_semaphore, #tpu.memory_space<semaphore_mem>>) src(%arg9 : memref<125x144xf32, #tpu.memory_space<vmem>>) dst(%dma_wait3A_45 : memref<10240x144xf32, #tpu.memory_space<vmem_shared>>)
          tpu.yield
        }) : () -> ()
      }
      %scan3A_22 = arith.constant 8 : i32
    }
    %scan3A_7 = arith.constant 20 : i32
    %barrier3A_8 = arith.constant 0 : index
    tpu.barrier barrier_id(%barrier3A_8)
    %mul3A_9 = arith.constant 640 : i32
    %mul3A_10 = arith.muli %arg1, %mul3A_9 : i32
    "tpu.region"() ({
      %run_scoped3A = tpu.sem_alloc : memref<!tpu.dma_semaphore, #tpu.memory_space<semaphore_mem>>
      %dma_start3A = arith.constant 0 : i32
      %dma_start3A_11 = arith.constant 0 : i32
      %dma_start3A_12 = tpu.memref_slice %arg6[%add3A, %dma_start3A, %dma_start3A_11] : memref<32x640x144xf32, #tpu.memory_space<hbm>> -> memref<1x640x144xf32, #tpu.memory_space<hbm>>
      %dma_start3A_13 = tpu.memref_squeeze %dma_start3A_12 : memref<1x640x144xf32, #tpu.memory_space<hbm>> -> memref<640x144xf32, #tpu.memory_space<hbm>>
      %dma_start3A_14 = arith.constant 0 : i32
      %dma_start3A_15 = tpu.memref_slice %arg10[%mul3A_10, %dma_start3A_14] : memref<10240x144xf32, #tpu.memory_space<vmem_shared>> -> memref<640x144xf32, #tpu.memory_space<vmem_shared>>
      tpu.enqueue_dma source(%dma_start3A_15 : memref<640x144xf32, #tpu.memory_space<vmem_shared>>) target(%dma_start3A_13 : memref<640x144xf32, #tpu.memory_space<hbm>>) target_semaphore(%run_scoped3A : memref<!tpu.dma_semaphore, #tpu.memory_space<semaphore_mem>>)
      %dma_wait3A = arith.constant 0 : i32
      %dma_wait3A_16 = arith.constant 0 : i32
      %dma_wait3A_17 = tpu.memref_slice %arg6[%add3A, %dma_wait3A, %dma_wait3A_16] : memref<32x640x144xf32, #tpu.memory_space<hbm>> -> memref<1x640x144xf32, #tpu.memory_space<hbm>>
      %dma_wait3A_18 = tpu.memref_squeeze %dma_wait3A_17 : memref<1x640x144xf32, #tpu.memory_space<hbm>> -> memref<640x144xf32, #tpu.memory_space<hbm>>
      %dma_wait3A_19 = arith.constant 0 : i32
      %dma_wait3A_20 = tpu.memref_slice %arg10[%mul3A_10, %dma_wait3A_19] : memref<10240x144xf32, #tpu.memory_space<vmem_shared>> -> memref<640x144xf32, #tpu.memory_space<vmem_shared>>
      tpu.wait_dma2 semaphore(%run_scoped3A : memref<!tpu.dma_semaphore, #tpu.memory_space<semaphore_mem>>) src(%dma_wait3A_20 : memref<640x144xf32, #tpu.memory_space<vmem_shared>>) dst(%dma_wait3A_18 : memref<640x144xf32, #tpu.memory_space<hbm>>)
      tpu.yield
    }) : () -> ()
    return
  }
}

module attributes {stable_mosaic.version = 14 : i64} {
  func.func @_dense_body(%arg0: i32, %arg1: memref<1000x128xf32, #tpu.memory_space<vmem>>, %arg2: memref<1000x144xf32, #tpu.memory_space<vmem>>, %arg3: memref<1000x144xf32, #tpu.memory_space<vmem>>, %arg4: memref<384x256xf32, #tpu.memory_space<vmem>>, %arg5: memref<1x256xf32, #tpu.memory_space<vmem>>, %arg6: memref<256x349xf32, #tpu.memory_space<vmem>>, %arg7: memref<1x349xf32, #tpu.memory_space<vmem>>, %arg8: memref<1000x349xf32, #tpu.memory_space<vmem>>) attributes {dimension_semantics = [#tpu.dimension_semantics<arbitrary>], iteration_bounds = array<i64: 10>, scalar_prefetch = 0 : i64, scratch_operands = 0 : i64, tpu.core_type = #tpu.core_type<tc>, window_params = [{transform_indices = @transform_0, window_bounds = array<i64: 1000, 128>}, {transform_indices = @transform_1, window_bounds = array<i64: 1000, 144>}, {transform_indices = @transform_2, window_bounds = array<i64: 1000, 144>}, {pipeline_mode = #tpu.pipeline_mode<synchronous>, transform_indices = @transform_3, window_bounds = array<i64: 384, 256>}, {pipeline_mode = #tpu.pipeline_mode<synchronous>, transform_indices = @transform_4, window_bounds = array<i64: 1, 256>}, {pipeline_mode = #tpu.pipeline_mode<synchronous>, transform_indices = @transform_5, window_bounds = array<i64: 256, 349>}, {pipeline_mode = #tpu.pipeline_mode<synchronous>, transform_indices = @transform_6, window_bounds = array<i64: 1, 349>}, {transform_indices = @transform_7, window_bounds = array<i64: 1000, 349>}]} {
    %get3A = arith.constant 0 : index
    %get3A_0 = arith.constant 0 : index
    %get3A_1 = vector.load %arg2[%get3A, %get3A_0] : memref<1000x144xf32, #tpu.memory_space<vmem>>, vector<1000x144xf32>
    %get3A_2 = arith.constant 0 : index
    %get3A_3 = arith.constant 0 : index
    %get3A_4 = vector.load %arg3[%get3A_2, %get3A_3] : memref<1000x144xf32, #tpu.memory_space<vmem>>, vector<1000x144xf32>
    %slice3A = vector.extract_strided_slice %get3A_1 {offsets = [0, 0], sizes = [1000, 128], strides = [1, 1]} : vector<1000x144xf32> to vector<1000x128xf32>
    %slice3A_5 = vector.extract_strided_slice %get3A_1 {offsets = [0, 128], sizes = [1000, 1], strides = [1, 1]} : vector<1000x144xf32> to vector<1000x1xf32>
    %max3A = arith.constant 1.000000e+00 : f32
    %max3A_6 = vector.broadcast %max3A : f32 to vector<1000x1xf32>
    %max3A_7 = arith.maximumf %slice3A_5, %max3A_6 : vector<1000x1xf32>
    %div3A = vector.broadcast %max3A_7 : vector<1000x1xf32> to vector<1000x128xf32>
    %div3A_8 = arith.divf %slice3A, %div3A : vector<1000x128xf32>
    %slice3A_9 = vector.extract_strided_slice %get3A_4 {offsets = [0, 0], sizes = [1000, 128], strides = [1, 1]} : vector<1000x144xf32> to vector<1000x128xf32>
    %slice3A_10 = vector.extract_strided_slice %get3A_4 {offsets = [0, 128], sizes = [1000, 1], strides = [1, 1]} : vector<1000x144xf32> to vector<1000x1xf32>
    %max3A_11 = arith.constant 1.000000e+00 : f32
    %max3A_12 = vector.broadcast %max3A_11 : f32 to vector<1000x1xf32>
    %max3A_13 = arith.maximumf %slice3A_10, %max3A_12 : vector<1000x1xf32>
    %div3A_14 = vector.broadcast %max3A_13 : vector<1000x1xf32> to vector<1000x128xf32>
    %div3A_15 = arith.divf %slice3A_9, %div3A_14 : vector<1000x128xf32>
    %get3A_16 = arith.constant 0 : index
    %get3A_17 = arith.constant 0 : index
    %get3A_18 = vector.load %arg1[%get3A_16, %get3A_17] : memref<1000x128xf32, #tpu.memory_space<vmem>>, vector<1000x128xf32>
    %concatenate3A = tpu.concatenate %get3A_18, %div3A_8, %div3A_15 in 1 : vector<1000x128xf32>, vector<1000x128xf32>, vector<1000x128xf32> -> vector<1000x384xf32>
    %get3A_19 = arith.constant 0 : index
    %get3A_20 = arith.constant 0 : index
    %get3A_21 = vector.load %arg4[%get3A_19, %get3A_20] : memref<384x256xf32, #tpu.memory_space<vmem>>, vector<384x256xf32>
    %dot_general3A = arith.constant dense<0.000000e+00> : vector<1000x256xf32>
    %dot_general3A_22 = tpu.matmul %concatenate3A, %get3A_21, %dot_general3A {dimension_numbers = #tpu.dot_dimension_numbers<[1], [0], [0], [1], [0, 0, 1, 1], [], []>, transpose_lhs_hint = false} : vector<1000x384xf32>, vector<384x256xf32>, vector<1000x256xf32> -> vector<1000x256xf32>
    %get3A_23 = arith.constant 0 : index
    %get3A_24 = arith.constant 0 : index
    %get3A_25 = vector.load %arg5[%get3A_23, %get3A_24] : memref<1x256xf32, #tpu.memory_space<vmem>>, vector<1x256xf32>
    %add3A = vector.broadcast %get3A_25 : vector<1x256xf32> to vector<1000x256xf32>
    %add3A_26 = arith.addf %dot_general3A_22, %add3A : vector<1000x256xf32>
    %max3A_27 = arith.constant 0.000000e+00 : f32
    %max3A_28 = vector.broadcast %max3A_27 : f32 to vector<1000x256xf32>
    %max3A_29 = arith.maximumf %add3A_26, %max3A_28 : vector<1000x256xf32>
    %get3A_30 = arith.constant 0 : index
    %get3A_31 = arith.constant 0 : index
    %get3A_32 = vector.load %arg6[%get3A_30, %get3A_31] : memref<256x349xf32, #tpu.memory_space<vmem>>, vector<256x349xf32>
    %dot_general3A_33 = arith.constant dense<0.000000e+00> : vector<1000x349xf32>
    %dot_general3A_34 = tpu.matmul %max3A_29, %get3A_32, %dot_general3A_33 {dimension_numbers = #tpu.dot_dimension_numbers<[1], [0], [0], [1], [0, 0, 1, 1], [], []>, transpose_lhs_hint = false} : vector<1000x256xf32>, vector<256x349xf32>, vector<1000x349xf32> -> vector<1000x349xf32>
    %get3A_35 = arith.constant 0 : index
    %get3A_36 = arith.constant 0 : index
    %get3A_37 = vector.load %arg7[%get3A_35, %get3A_36] : memref<1x349xf32, #tpu.memory_space<vmem>>, vector<1x349xf32>
    %add3A_38 = vector.broadcast %get3A_37 : vector<1x349xf32> to vector<1000x349xf32>
    %add3A_39 = arith.addf %dot_general3A_34, %add3A_38 : vector<1000x349xf32>
    %swap3A = arith.constant 0 : index
    %swap3A_40 = arith.constant 0 : index
    %swap3A_41 = vector.load %arg8[%swap3A, %swap3A_40] : memref<1000x349xf32, #tpu.memory_space<vmem>>, vector<1000x349xf32>
    tpu.vector_store %arg8[%swap3A, %swap3A_40], %add3A_39 {strides = array<i32>} : memref<1000x349xf32, #tpu.memory_space<vmem>>, vector<1000x349xf32>,
    return
  }
  func.func @transform_0(%arg0: i32) -> (i32, i32) {
    %c0_i32 = arith.constant 0 : i32
    %c0_i32_0 = arith.constant 0 : i32
    return %arg0, %c0_i32 : i32, i32
  }
  func.func @transform_1(%arg0: i32) -> (i32, i32) {
    %c0_i32 = arith.constant 0 : i32
    %c0_i32_0 = arith.constant 0 : i32
    return %arg0, %c0_i32 : i32, i32
  }
  func.func @transform_2(%arg0: i32) -> (i32, i32) {
    %c0_i32 = arith.constant 0 : i32
    %c0_i32_0 = arith.constant 0 : i32
    return %arg0, %c0_i32 : i32, i32
  }
  func.func @transform_3(%arg0: i32) -> (i32, i32) {
    %c0_i32 = arith.constant 0 : i32
    %c0_i32_0 = arith.constant 0 : i32
    %c0_i32_1 = arith.constant 0 : i32
    return %c0_i32, %c0_i32_0 : i32, i32
  }
  func.func @transform_4(%arg0: i32) -> (i32, i32) {
    %c0_i32 = arith.constant 0 : i32
    %c0_i32_0 = arith.constant 0 : i32
    %c0_i32_1 = arith.constant 0 : i32
    return %c0_i32, %c0_i32_0 : i32, i32
  }
  func.func @transform_5(%arg0: i32) -> (i32, i32) {
    %c0_i32 = arith.constant 0 : i32
    %c0_i32_0 = arith.constant 0 : i32
    %c0_i32_1 = arith.constant 0 : i32
    return %c0_i32, %c0_i32_0 : i32, i32
  }
  func.func @transform_6(%arg0: i32) -> (i32, i32) {
    %c0_i32 = arith.constant 0 : i32
    %c0_i32_0 = arith.constant 0 : i32
    %c0_i32_1 = arith.constant 0 : i32
    return %c0_i32, %c0_i32_0 : i32, i32
  }
  func.func @transform_7(%arg0: i32) -> (i32, i32) {
    %c0_i32 = arith.constant 0 : i32
    %c0_i32_0 = arith.constant 0 : i32
    return %arg0, %c0_i32 : i32, i32
  }
}

</mosaic_0001>

<sc_bundles>
// kernel: kernel.4.cloned.1.call-start
scs
__scs_entry_jumppad:
0x0: {  	(pc) =	sbr.rel $0x88, $3  }
0x1: {  	(tag) =	ssettag $0x0;
	lr =	simm.s32 $0x1  }
0x2: {  	[smem:$0x3F97] =	sst lr;
	_ =	strace $0xD0000000  }
0x3: {  	_ = 	snop  }
0x4: {  	_ = 	snop  }
0x5: {  	_ = 	snop  }
0x6: {  	_ = 	snop  }
0x7: {  	_ = 	snop  }
__scs_overlays_trampoline_lowered:
0x8: {  	[smem:$0x3FA6] =	sst s0  }
0x9: {  	[smem:$0x3FA7] =	sst s1  }
0xa: {  	[smem:$0x3FA8] =	sst s2  }
0xb: {  	[smem:$0x3FA9] =	sst s3  }
0xc: {  	[smem:$0x3FAA] =	sst s4  }
0xd: {  	[smem:$0x3FAB] =	sst s5  }
0xe: {  	[smem:$0x3FAC] =	sst s6  }
0xf: {  	[smem:$0x3FAD] =	sst s7  }
0x10: {  	[smem:$0x3FAE] =	sst s8  }
0x11: {  	[smem:$0x3FAF] =	sst s9;
	s0 =	simm.s32 @!p0 $0x0  }
0x12: {  	s1 =	sld [smem:$0x3F95];
	s0 =	simm.s32 @p0 $0x1  }
0x13: {  	[smem:$0x3FB0] =	sst s0;
	s0 =	simm.s32 @!p1 $0x0  }
0x14: {  	s2 =	sld [smem:$0x3F94];
	s0 =	simm.s32 @p1 $0x1  }
0x15: {  	[smem:$0x3FB1] =	sst s0;
	s0 =	simm.s32 @!p2 $0x0  }
0x16: {  	s3 =	sld [smem:$0x3FDB];
	s0 =	simm.s32 @p2 $0x1  }
0x17: {  	s4 =	simm.s32 $0x1BF5;
	[smem:$0x3FB3] =	sst s0  }
0x18: {  	s0 =	sld [smem:$0x3F96];
	_ =	swait.ge [sflag:s4], $0x0  }
0x19: {  	s7 =	sld [smem:$0x3F97]  }
0x1a: {  	s8 =	sadd.s32 $0xFFFFE003, lr  }
0x1b: {  	s9 =	sadd.s32 $0xFFFFFEF7, lr;
	s5 =	simm.s32 $0xFFFFFFFF;
	p2 =	slt.u32 s8, $0xFFFFF086  }
0x1c: {  	p1 =	slt.u32 s9, $0xF7A;
	s5 =	simm.s32 @!p2 $0x0  }
0x1d: {  	s5 =	simm.s32 @p1 $0x1;
	p0 =	seq.s32 s7, s2  }
0x1e: {  	s7 =	smul.u32 @!p0 $0xF7A, s2;
	p2 =	seq.s32 @!p0 s5, $0x0  }
0x1f: {  	s9 =	smul.u32 $0xF7A, s1;
	s8 =	simm.s32 @!p0 $0x1BF5;
	p2 =	por !p2, p0  }
0x20: {  	[sflag:s8] =	ssyncset.s32 @!p0 $0xFFFFF086;
	s6 =	sadd.s32 @!p0 s3, s7;
	s7 =	simm.s32 @!p0 $0x108  }
0x21: {  	s3 =	sadd.s32 s3, s9;
	s6 =	sadd.s32 @!p0 $0x88, s6;
	s7 =	simm.s32 @p2 $0x1082  }
0x22: {  	[simem:s7], [sflag:s8] =	dma.local @!p0 [hbm:s6], $0xF7A  }
0x23: {  	s9 =	sor.u32 $0xD0000000, s2;
	s6 =	simm.s32 $0x108;
	_ =	swait.ge @!p0 [sflag:s8], $0x0  }
0x24: {  	s3 =	sadd.s32 $0x88, s3;
	s6 =	simm.s32 @!p1 $0x1082;
	[sflag:s4] =	ssyncset.s32 $0xFFFFF086  }
0x25: {  	[simem:s6], [sflag:s4] =	dma.local [hbm:s3], $0xF7A  }
0x26: {  	[smem:$0x3F97] =	sst s1;
	(tag) =	ssettag s2;
	_ =	strace s9  }
0x27: {  	s1 =	sld [smem:$0x3FA7]  }
0x28: {  	s2 =	sld [smem:$0x3FA8]  }
0x29: {  	s4 =	sld [smem:$0x3FAA]  }
0x2a: {  	p0 =	seq.s32 s5, $0x0;
	s5 =	sld [smem:$0x3FAB]  }
0x2b: {  	s6 =	sld [smem:$0x3FAC]  }
0x2c: {  	s7 =	sld [smem:$0x3FAD]  }
0x2d: {  	s3 =	simm.s32 $0x108;
	s8 =	sld [smem:$0x3FAE]  }
0x2e: {  	s3 =	simm.s32 @!p0 $0x1082;
	s9 =	sld [smem:$0x3FAF]  }
0x2f: {  	lr =	sadd.s32 s0, s3;
	s0 =	sld [smem:$0x3FA6]  }
0x30: {  	s3 =	sld [smem:$0x3FA9]  }
0x31: {  	[smem:$0x3FB2] =	sst s10  }
0x32: {  	s10 =	sld [smem:$0x3FB0];
	_ =	sdelay $0x3  }
0x33: {  	p0 =	seq.s32 s10, $0x1;
	s10 =	sld [smem:$0x3FB2];
	_ =	sdelay $0x3  }
0x34: {  	[smem:$0x3FB2] =	sst s10  }
0x35: {  	s10 =	sld [smem:$0x3FB1];
	_ =	sdelay $0x3  }
0x36: {  	p1 =	seq.s32 s10, $0x1;
	s10 =	sld [smem:$0x3FB2];
	_ =	sdelay $0x3  }
0x37: {  	[smem:$0x3FB2] =	sst s10  }
0x38: {  	s10 =	sld [smem:$0x3FB3]  }
0x39: {  	_ = 	snop;
	(pc) =	sbr.ind lr, $3  }
0x3a: {  	_ = 	snop  }
0x3b: {  	_ = 	snop  }
0x3c: {  	p2 =	seq.s32 s10, $0x1;
	s10 =	sld [smem:$0x3FB2]  }
0x3d: {  	_ =	shalt  }
0x3e: {  	_ =	shalt  }
0x3f: {  	_ =	shalt  }
0x40: {  	_ =	shalt  }
0x41: {  	_ =	shalt  }
0x42: {  	_ =	shalt  }
0x43: {  	_ =	shalt  }
0x44: {  	_ =	shalt  }
0x45: {  	_ =	shalt  }
0x46: {  	_ =	shalt  }
0x47: {  	_ =	shalt  }
0x48: {  	_ =	shalt  }
0x49: {  	_ =	shalt  }
0x4a: {  	_ =	shalt  }
0x4b: {  	_ =	shalt  }
0x4c: {  	_ =	shalt  }
0x4d: {  	_ =	shalt  }
0x4e: {  	_ =	shalt  }
0x4f: {  	_ =	shalt  }
0x50: {  	_ =	shalt  }
0x51: {  	_ =	shalt  }
0x52: {  	_ =	shalt  }
0x53: {  	_ =	shalt  }
0x54: {  	_ =	shalt  }
0x55: {  	_ =	shalt  }
0x56: {  	_ =	shalt  }
0x57: {  	_ =	shalt  }
0x58: {  	_ =	shalt  }
0x59: {  	_ =	shalt  }
0x5a: {  	_ =	shalt  }
0x5b: {  	_ =	shalt  }
0x5c: {  	_ =	shalt  }
0x5d: {  	_ =	shalt  }
0x5e: {  	_ =	shalt  }
0x5f: {  	_ =	shalt  }
0x60: {  	_ =	shalt  }
0x61: {  	_ =	shalt  }
0x62: {  	_ =	shalt  }
0x63: {  	_ =	shalt  }
0x64: {  	_ =	shalt  }
0x65: {  	_ =	shalt  }
0x66: {  	_ =	shalt  }
0x67: {  	_ =	shalt  }
0x68: {  	_ =	shalt  }
0x69: {  	_ =	shalt  }
0x6a: {  	_ =	shalt  }
0x6b: {  	_ =	shalt  }
0x6c: {  	_ =	shalt  }
0x6d: {  	_ =	shalt  }
0x6e: {  	_ =	shalt  }
0x6f: {  	_ =	shalt  }
0x70: {  	_ =	shalt  }
0x71: {  	_ =	shalt  }
0x72: {  	_ =	shalt  }
0x73: {  	_ =	shalt  }
0x74: {  	_ =	shalt  }
0x75: {  	_ =	shalt  }
0x76: {  	_ =	shalt  }
0x77: {  	_ =	shalt  }
0x78: {  	_ =	shalt  }
0x79: {  	_ =	shalt  }
0x7a: {  	_ =	shalt  }
0x7b: {  	_ =	shalt  }
0x7c: {  	_ =	shalt  }
0x7d: {  	_ =	shalt  }
0x7e: {  	_ =	shalt  }
0x7f: {  	_ =	shalt  }
0x80: {  	_ =	shalt  }
0x81: {  	_ =	shalt  }
0x82: {  	_ =	shalt  }
0x83: {  	_ =	shalt  }
0x84: {  	_ =	shalt  }
0x85: {  	_ =	shalt  }
0x86: {  	_ =	shalt  }
0x87: {  	_ =	shalt  }
.Lfunc_end0:
.L_simem_size_0:
called_computation_lowered:
.L_overlay_start_0:
0x88: {  	s2 =	sld [smem:$0x3FD9]  }
0x89: {  	s3 =	sld [smem:$0x3FFE];
	_ =	sdelay $0x1  }
0x8a: {  	s1 =	srdreg.scid  }
0x8b: {  	s0 =	sand.u32 $0x1, s1  }
0x8c: {  	s17 =	sshll.u32 s0, $0xA;
	s2 =	sadd.s32 s3, s2  }
0x8d: {  	s2 =	sadd.s32 s2, s17  }
0x8e: {  	[smem:$0x3FBE] =	sst s2  }
0x8f: {  	_ = 	snop  }
0x90: {  	s2 =	sld [smem:$0x3FD0];
	(tm) =	ssettm $0x1  }
0x91: {  	s18 =	sld [smem:$0x3FFB];
	_ =	sdelay $0x3  }
0x92: {  	_ =	strace s18  }
0x93: {  	s3 =	sld [smem:$0x3FFC];
	_ =	sdelay $0x3  }
0x94: {  	_ =	strace s3  }
0x95: {  	s3 =	sld [smem:$0x3FFD];
	_ =	sdelay $0x3  }
0x96: {  	_ =	strace s3  }
0x97: {  	_ =	strace $0x8FFFFFFF  }
0x98: {  	s19 =	sld [smem:$0x3FDB];
	_ =	sdelay $0x1  }
0x99: {  	s4 =	simm.s32 $_scs_section_size  }
0x9a: {  	s5 =	simm.s32 $_size__tile_overlayer_lowered;
	s6 =	simm.s32 $_tile_overlayer_lowered  }
0x9b: {  	s22 =	simm.s32 $0x1BFF;
	s21 =	sshll.u32 s6, $0x1;
	s3 =	sadd.s32 s4, s19  }
0x9c: {  	s7 =	simm.s32 $0x0;
	s20 =	sshll.u32 s5, $0x1;
	s5 =	sadd.s32 s21, s3  }
0x9d: {  	[timem:s7], [sflag:s22] =	dma.local [hbm:s5], s20  }
0x9e: {  	_ =	swait.ge [sflag:s22], s20  }
0x9f: {  	s4 =	ssub.s32 $0x0, s20;
	[sflag:s22] =	ssyncset.done $0x0  }
0xa0: {  	[sflag:s22] =	ssyncadd.s32 s4;
	_ =	sdelay $0x1  }
0xa1: {  	s23 =	simm.s32 $0x1B8B  }
0xa2: {  	_ =	swait.ge [sflag:s23], $0x1  }
0xa3: {  	[sflag:s23] =	ssyncset.done $0x0  }
0xa4: {  	s25 =	simm.s32 $0x1B8E;
	s24 =	sld [smem:$0x3FFE];
	[sflag:s23] =	ssyncadd.s32 $0xFFFFFFFF  }
0xa5: {  	s26 =	simm.s32 $execute0_lowered;
	[smem:$0x3FD2] =	sst s25  }
0xa6: {  	s5 =	sshll.u32 s26, $0x1;
	_ =	strace $0x80000046;
	[dreg:$0x1] =	wrdreg $0xFFFFFFFF  }
0xa7: {  	s28 =	simm.s32 $_size_execute0_lowered;
	s3 =	sadd.s32 s3, s5;
	[dreg:$0x0] =	wrdreg $0x0  }
0xa8: {  	s5 =	sshll.u32 s28, $0x1;
	[dreg:$0x2] =	wrdreg s3  }
0xa9: {  	[dreg:$0x3] =	wrdreg s5  }
0xaa: {  	[dreg:$0x4] =	wrdreg $0xC0  }
0xab: {  	_ =	task [dreg:s7], $0x5FFFF  }
0xac: {  	[dreg:$0x1] =	wrdreg $0xFFFFFFFF  }
0xad: {  	[dreg:$0x0] =	wrdreg $0x60  }
0xae: {  	[dreg:$0x2] =	wrdreg s24  }
0xaf: {  	[dreg:$0x3] =	wrdreg s2  }
0xb0: {  	[dreg:$0x4] =	wrdreg $0x4E500  }
0xb1: {  	[dreg:$0x5] =	wrdreg $0x9  }
0xb2: {  	_ =	task.clear_ibuf [dreg:s7], $0x6FFFF;
	_ =	strace $0x90000046  }
0xb3: {  	s29 =	simm.s32 $0x9;
	_ =	strace $0x80000048  }
0xb4: {  	_ =	swait.ge [sflag:s29], $0x1  }
0xb5: {  	[sflag:s29] =	ssyncadd.s32 $0xFFFFFFFF  }
0xb6: {  	_ =	strace $0x90000048  }
0xb7: {  	_ =	sfence  }
0xb8: {  	s30 =	sld [smem:$0x0];
	_ =	sdelay $0x2  }
0xb9: {  	s31 =	sshll.u32 s1, $0xD;
	s1 =	sshrl.u32 s1, $0x2  }
0xba: {  	s3 =	sand.u32 $0x4000, s31;
	s1 =	sadd.s32 s1, s30  }
0xbb: {  	s0 =	sor.u32 s3, s0;
	s1 =	sshll.u32 s1, $0x11  }
0xbc: {  	s0 =	sor.u32 s1, s0  }
0xbd: {  	s0 =	sadd.s32 $0x8F2B, s0  }
0xbe: {  	[sflag:s0] =	ssyncadd.remote.s32 $0x1  }
0xbf: {  	_ =	sfence.sel $0xFFFF  }
0xc0: {  	[dreg:$0x0] =	wrdreg $0xFFFFFFFF;
	(pc) =	sbr.abs _section_cstart, $3  }
0xc1: {  	[dreg:$0x1] =	wrdreg $0xFFFFFFFF  }
0xc2: {  	_ =	task.clear_ibuf [dreg:s7], $0x2FFFF;
	_ =	strace $0x9FFFFFFF  }
0xc3: {  	(tm) =	ssettm $0x7FFFFFFF  }
tec
execute0_lowered:
.L_overlay_start_1:
0x0: {  	(tag) =	ssettag $0x1  }
0x1: {  	s0 =	rddreg [dreg:$0x0]  }
0x2: {  	s3 =	rddreg [dreg:$0x1]  }
0x3: {  	s1 =	rddreg [dreg:$0x2];
	s2 =	simm.s32 $0x0  }
0x4: {  	s4 =	srdreg.scid;
	s10 =	stileid.u32;
	s12 =	simm.s32 $0x2  }
0x5: {  	s13 =	simm.s32 $0x400;
	s14 =	simm.s32 $0x7D;
	s15 =	simm.s32 $0x800  }
0x6: {  	s16 =	simm.s32 $0x1;
	s17 =	simm.s32 $0x80;
	s18 =	simm.s32 $0x480  }
0x7: {  	s19 =	simm.s32 $0x100;
	s28 =	simm.s32 $0x300;
	s29 =	simm.s32 $0x700  }
0x8: {  	s30 =	simm.s32 $0x380;
	s31 =	simm.s32 $0x780;
	[smem:$0x7FF] =	sst s2  }
0x9: {  	s5 =	sand.u32 $0x1, s4;
	s4 =	sadd.s32 $0x29600, s0;
	s21 =	smul.u32 $0x5A000, s10  }
0xa: {  	s9 =	smul.u32 $0xA00, s10;
	s25 =	sshll.u32 s10, $0x6;
	_ =	strace $0x80000047  }
0xb: {  	s6 =	smul.u32 $0xA000, s5;
	s7 =	sshll.u32 s5, $0x4;
	s22 =	ssub.s32 $0x2, s5  }
0xc: {  	s20 =	sor.u32 s10, s7;
	s24 =	sshrl.u32 s22, $0x1;
	s7 =	sshrl.u32 s21, $0x2  }
0xd: {  	s21 =	simm.s32 $0x180;
	s8 =	sadd.s32 s6, s0;
	s0 =	sadd.s32 $0x81600, s0  }
0xe: {  	s23 =	smul.u32 $0x2D00, s20;
	s7 =	sadd.s32 s7, s1;
	s6 =	sor.u32 $0x1C02, s25  }
0xf: {  	s20 =	simm.s32 $0x500;
	s25 =	simm.s32 $0x280;
	[dreg:$0x4] =	wrdreg s0  }
0x10: {  	s0 =	ssub.s32 s22, s24;
	s26 =	sadd.s32 s9, s8;
	s5 =	sshrl.u32 s7, $0x3  }
0x11: {  	s22 =	simm.s32 $0x580;
	s24 =	simm.s32 $0x600;
	s3 =	sadd.s32 s3, s23  }
0x12: {  	s0 =	smax.u32 s0, $0x1;
	s9 =	sadd.s32 $0x1600, s26;
	[dreg:$0x7] =	wrdreg s5  }
0x13: {  	s10 =	sadd.s32 $0x15600, s26;
	s23 =	simm.s32 $0x200;
	[dreg:$0x5] =	wrdreg s3  }
0x14: {  	s26 =	simm.s32 $0x680;
	[dreg:$0x6] =	wrdreg s0;
	s0 =	simm.s32 $0x0  }
.LBB2_1:
0x15: {  	s3 =	rddreg [dreg:$0x4]  }
0x16: {  	[spmem:s5], [sflag:s6] =	dma.local [hbm:s3], $0x2D00  }
0x17: {  	_ =	swait.ge [sflag:s12], $0x2D00  }
0x18: {  	[sflag:s12] =	ssyncset.done $0x0  }
0x19: {  	[sflag:s12] =	ssyncadd.s32 $0xFFFFD300  }
0x1a: {  	s7 =	sadd.s32 $0x0, s10;
	[bflag:$0x0] =	sbarrier.arrive $0xFFFF  }
0x1b: {  	[tilespmem:s2], [sflag:$0x2] =	stream.linear.gather [hbm4b:s7+s2], $0x400, $0x38;
	[tilespmem:$0x1B650] =	vst v63  }
0x1c: {  	_ =	swait.ge [sflag:s12], $0x400  }
0x1d: {  	[sflag:s12] =	ssyncset.done $0x0  }
0x1e: {  	s8 =	sadd.s32 $0x0, s9;
	[sflag:s12] =	ssyncadd.s32 $0xFFFFFC00  }
0x1f: {  	[tilespmem:s13], [sflag:$0x2] =	stream.linear.gather [hbm4b:s8+s2], $0x400, $0x38;
	[tilespmem:$0x1B650] =	vst v63  }
0x20: {  	_ =	swait.ge [sflag:s12], $0x400  }
0x21: {  	[sflag:s12] =	ssyncset.done $0x0  }
0x22: {  	[sflag:s12] =	ssyncadd.s32 $0xFFFFFC00  }
0x23: {  	[tilespmem:s15], [sflag:$0x1] =	stream.indirect.gather [hbm4b:s4+s14], $0x90, s2, s14, $0xb8;
	[tilespmem:$0x1B650] =	vst v63  }
0x24: {  	_ =	swait.ge [sflag:s16], $0x4650  }
0x25: {  	[sflag:s16] =	ssyncset.done $0x0  }
0x26: {  	[sflag:s16] =	ssyncadd.s32 $0xFFFFB9B0  }
0x27: {  	[spmem:s1] =	stream.indirect.scatter.add.f32 [tilespmem:s15], [sflag:$0x2], $0x90, s13, s14, $0xb8;
	[tilespmem:$0x1B650] =	vst v63  }
0x28: {  	_ =	swait.ge [sflag:s12], $0x4650  }
0x29: {  	[sflag:s12] =	ssyncset.done $0x0  }
0x2a: {  	[sflag:s12] =	ssyncadd.s32 $0xFFFFB9B0  }
0x2b: {  	[tilespmem:s15], [sflag:$0x1] =	stream.indirect.gather [hbm4b:s4+s14], $0x90, s17, s14, $0xb8;
	[tilespmem:$0x1B650] =	vst v63  }
0x2c: {  	_ =	swait.ge [sflag:s16], $0x4650  }
0x2d: {  	[sflag:s16] =	ssyncset.done $0x0  }
0x2e: {  	[sflag:s16] =	ssyncadd.s32 $0xFFFFB9B0  }
0x2f: {  	[spmem:s1] =	stream.indirect.scatter.add.f32 [tilespmem:s15], [sflag:$0x2], $0x90, s18, s14, $0xb8;
	[tilespmem:$0x1B650] =	vst v63  }
0x30: {  	_ =	swait.ge [sflag:s12], $0x4650  }
0x31: {  	[sflag:s12] =	ssyncset.done $0x0  }
0x32: {  	[sflag:s12] =	ssyncadd.s32 $0xFFFFB9B0  }
0x33: {  	[tilespmem:s15], [sflag:$0x1] =	stream.indirect.gather [hbm4b:s4+s14], $0x90, s19, s14, $0xb8;
	[tilespmem:$0x1B650] =	vst v63  }
0x34: {  	_ =	swait.ge [sflag:s16], $0x4650  }
0x35: {  	[sflag:s16] =	ssyncset.done $0x0  }
0x36: {  	[sflag:s16] =	ssyncadd.s32 $0xFFFFB9B0  }
0x37: {  	[spmem:s1] =	stream.indirect.scatter.add.f32 [tilespmem:s15], [sflag:$0x2], $0x90, s20, s14, $0xb8;
	[tilespmem:$0x1B650] =	vst v63  }
0x38: {  	_ =	swait.ge [sflag:s12], $0x4650  }
0x39: {  	[sflag:s12] =	ssyncset.done $0x0  }
0x3a: {  	[sflag:s12] =	ssyncadd.s32 $0xFFFFB9B0  }
0x3b: {  	[tilespmem:s15], [sflag:$0x1] =	stream.indirect.gather [hbm4b:s4+s14], $0x90, s21, s14, $0xb8;
	[tilespmem:$0x1B650] =	vst v63  }
0x3c: {  	_ =	swait.ge [sflag:s16], $0x4650  }
0x3d: {  	[sflag:s16] =	ssyncset.done $0x0  }
0x3e: {  	[sflag:s16] =	ssyncadd.s32 $0xFFFFB9B0  }
0x3f: {  	[spmem:s1] =	stream.indirect.scatter.add.f32 [tilespmem:s15], [sflag:$0x2], $0x90, s22, s14, $0xb8;
	[tilespmem:$0x1B650] =	vst v63  }
0x40: {  	_ =	swait.ge [sflag:s12], $0x4650  }
0x41: {  	[sflag:s12] =	ssyncset.done $0x0  }
0x42: {  	[sflag:s12] =	ssyncadd.s32 $0xFFFFB9B0  }
0x43: {  	[tilespmem:s15], [sflag:$0x1] =	stream.indirect.gather [hbm4b:s4+s14], $0x90, s23, s14, $0xb8;
	[tilespmem:$0x1B650] =	vst v63  }
0x44: {  	_ =	swait.ge [sflag:s16], $0x4650  }
0x45: {  	[sflag:s16] =	ssyncset.done $0x0  }
0x46: {  	[sflag:s16] =	ssyncadd.s32 $0xFFFFB9B0  }
0x47: {  	[spmem:s1] =	stream.indirect.scatter.add.f32 [tilespmem:s15], [sflag:$0x2], $0x90, s24, s14, $0xb8;
	[tilespmem:$0x1B650] =	vst v63  }
0x48: {  	_ =	swait.ge [sflag:s12], $0x4650  }
0x49: {  	[sflag:s12] =	ssyncset.done $0x0  }
0x4a: {  	[sflag:s12] =	ssyncadd.s32 $0xFFFFB9B0  }
0x4b: {  	[tilespmem:s15], [sflag:$0x1] =	stream.indirect.gather [hbm4b:s4+s14], $0x90, s25, s14, $0xb8;
	[tilespmem:$0x1B650] =	vst v63  }
0x4c: {  	_ =	swait.ge [sflag:s16], $0x4650  }
0x4d: {  	[sflag:s16] =	ssyncset.done $0x0  }
0x4e: {  	[sflag:s16] =	ssyncadd.s32 $0xFFFFB9B0  }
0x4f: {  	[spmem:s1] =	stream.indirect.scatter.add.f32 [tilespmem:s15], [sflag:$0x2], $0x90, s26, s14, $0xb8;
	[tilespmem:$0x1B650] =	vst v63  }
0x50: {  	_ =	swait.ge [sflag:s12], $0x4650  }
0x51: {  	[sflag:s12] =	ssyncset.done $0x0  }
0x52: {  	[sflag:s12] =	ssyncadd.s32 $0xFFFFB9B0  }
0x53: {  	[tilespmem:s15], [sflag:$0x1] =	stream.indirect.gather [hbm4b:s4+s14], $0x90, s28, s14, $0xb8;
	[tilespmem:$0x1B650] =	vst v63  }
0x54: {  	_ =	swait.ge [sflag:s16], $0x4650  }
0x55: {  	[sflag:s16] =	ssyncset.done $0x0  }
0x56: {  	[sflag:s16] =	ssyncadd.s32 $0xFFFFB9B0  }
0x57: {  	[spmem:s1] =	stream.indirect.scatter.add.f32 [tilespmem:s15], [sflag:$0x2], $0x90, s29, s14, $0xb8;
	[tilespmem:$0x1B650] =	vst v63  }
0x58: {  	_ =	swait.ge [sflag:s12], $0x4650  }
0x59: {  	[sflag:s12] =	ssyncset.done $0x0  }
0x5a: {  	[sflag:s12] =	ssyncadd.s32 $0xFFFFB9B0  }
0x5b: {  	[tilespmem:s15], [sflag:$0x1] =	stream.indirect.gather [hbm4b:s4+s14], $0x90, s30, s14, $0xb8;
	[tilespmem:$0x1B650] =	vst v63  }
0x5c: {  	_ =	swait.ge [sflag:s16], $0x4650  }
0x5d: {  	[sflag:s16] =	ssyncset.done $0x0  }
0x5e: {  	[sflag:s16] =	ssyncadd.s32 $0xFFFFB9B0  }
0x5f: {  	[spmem:s1] =	stream.indirect.scatter.add.f32 [tilespmem:s15], [sflag:$0x2], $0x90, s31, s14, $0xb8;
	[tilespmem:$0x1B650] =	vst v63  }
0x60: {  	s11 =	smov.u32 s6;
	_ =	swait.ge [sflag:s12], $0x4650  }
0x61: {  	s3 =	simm.s32 $0x80;
	s5 =	simm.s32 $0x100;
	[sflag:s12] =	ssyncset.done $0x0  }
.LBB2_2:
0x62: {  	s8 =	sadd.s32 s3, s10  }
0x63: {  	[sflag:s12] =	ssyncadd.s32 $0xFFFFB9B0;
	s6 =	smov.u32 s5;
	s7 =	sadd.s32 $0x80, s5  }
0x64: {  	[tilespmem:s2], [sflag:$0x2] =	stream.linear.gather [hbm4b:s8+s2], $0x400, $0x38;
	[tilespmem:$0x1B650] =	vst v63  }
0x65: {  	p0 =	sne.s32 s5, $0x980;
	_ =	swait.ge [sflag:s12], $0x400  }
0x66: {  	[sflag:s12] =	ssyncset.done $0x0  }
0x67: {  	s5 =	sadd.s32 s3, s9;
	s3 =	smov.u32 s6;
	[sflag:s12] =	ssyncadd.s32 $0xFFFFFC00  }
0x68: {  	[tilespmem:s13], [sflag:$0x2] =	stream.linear.gather [hbm4b:s5+s2], $0x400, $0x38;
	[tilespmem:$0x1B650] =	vst v63  }
0x69: {  	_ =	swait.ge [sflag:s12], $0x400  }
0x6a: {  	[sflag:s12] =	ssyncset.done $0x0  }
0x6b: {  	[sflag:s12] =	ssyncadd.s32 $0xFFFFFC00  }
0x6c: {  	[tilespmem:s15], [sflag:$0x1] =	stream.indirect.gather [hbm4b:s4+s14], $0x90, s2, s14, $0xb8;
	[tilespmem:$0x1B650] =	vst v63  }
0x6d: {  	_ =	swait.ge [sflag:s16], $0x4650  }
0x6e: {  	[sflag:s16] =	ssyncset.done $0x0  }
0x6f: {  	[sflag:s16] =	ssyncadd.s32 $0xFFFFB9B0  }
0x70: {  	[spmem:s1] =	stream.indirect.scatter.add.f32 [tilespmem:s15], [sflag:$0x2], $0x90, s13, s14, $0xb8;
	[tilespmem:$0x1B650] =	vst v63  }
0x71: {  	_ =	swait.ge [sflag:s12], $0x4650  }
0x72: {  	[sflag:s12] =	ssyncset.done $0x0  }
0x73: {  	[sflag:s12] =	ssyncadd.s32 $0xFFFFB9B0  }
0x74: {  	[tilespmem:s15], [sflag:$0x1] =	stream.indirect.gather [hbm4b:s4+s14], $0x90, s17, s14, $0xb8;
	[tilespmem:$0x1B650] =	vst v63  }
0x75: {  	_ =	swait.ge [sflag:s16], $0x4650  }
0x76: {  	[sflag:s16] =	ssyncset.done $0x0  }
0x77: {  	[sflag:s16] =	ssyncadd.s32 $0xFFFFB9B0  }
0x78: {  	[spmem:s1] =	stream.indirect.scatter.add.f32 [tilespmem:s15], [sflag:$0x2], $0x90, s18, s14, $0xb8;
	[tilespmem:$0x1B650] =	vst v63  }
0x79: {  	_ =	swait.ge [sflag:s12], $0x4650  }
0x7a: {  	[sflag:s12] =	ssyncset.done $0x0  }
0x7b: {  	[sflag:s12] =	ssyncadd.s32 $0xFFFFB9B0  }
0x7c: {  	[tilespmem:s15], [sflag:$0x1] =	stream.indirect.gather [hbm4b:s4+s14], $0x90, s19, s14, $0xb8;
	[tilespmem:$0x1B650] =	vst v63  }
0x7d: {  	_ =	swait.ge [sflag:s16], $0x4650  }
0x7e: {  	[sflag:s16] =	ssyncset.done $0x0  }
0x7f: {  	[sflag:s16] =	ssyncadd.s32 $0xFFFFB9B0  }
0x80: {  	[spmem:s1] =	stream.indirect.scatter.add.f32 [tilespmem:s15], [sflag:$0x2], $0x90, s20, s14, $0xb8;
	[tilespmem:$0x1B650] =	vst v63  }
0x81: {  	_ =	swait.ge [sflag:s12], $0x4650  }
0x82: {  	[sflag:s12] =	ssyncset.done $0x0  }
0x83: {  	[sflag:s12] =	ssyncadd.s32 $0xFFFFB9B0  }
0x84: {  	[tilespmem:s15], [sflag:$0x1] =	stream.indirect.gather [hbm4b:s4+s14], $0x90, s21, s14, $0xb8;
	[tilespmem:$0x1B650] =	vst v63  }
0x85: {  	_ =	swait.ge [sflag:s16], $0x4650  }
0x86: {  	[sflag:s16] =	ssyncset.done $0x0  }
0x87: {  	[sflag:s16] =	ssyncadd.s32 $0xFFFFB9B0  }
0x88: {  	[spmem:s1] =	stream.indirect.scatter.add.f32 [tilespmem:s15], [sflag:$0x2], $0x90, s22, s14, $0xb8;
	[tilespmem:$0x1B650] =	vst v63  }
0x89: {  	_ =	swait.ge [sflag:s12], $0x4650  }
0x8a: {  	[sflag:s12] =	ssyncset.done $0x0  }
0x8b: {  	[sflag:s12] =	ssyncadd.s32 $0xFFFFB9B0  }
0x8c: {  	[tilespmem:s15], [sflag:$0x1] =	stream.indirect.gather [hbm4b:s4+s14], $0x90, s23, s14, $0xb8;
	[tilespmem:$0x1B650] =	vst v63  }
0x8d: {  	_ =	swait.ge [sflag:s16], $0x4650  }
0x8e: {  	[sflag:s16] =	ssyncset.done $0x0  }
0x8f: {  	[sflag:s16] =	ssyncadd.s32 $0xFFFFB9B0  }
0x90: {  	[spmem:s1] =	stream.indirect.scatter.add.f32 [tilespmem:s15], [sflag:$0x2], $0x90, s24, s14, $0xb8;
	[tilespmem:$0x1B650] =	vst v63  }
0x91: {  	_ =	swait.ge [sflag:s12], $0x4650  }
0x92: {  	[sflag:s12] =	ssyncset.done $0x0  }
0x93: {  	[sflag:s12] =	ssyncadd.s32 $0xFFFFB9B0  }
0x94: {  	[tilespmem:s15], [sflag:$0x1] =	stream.indirect.gather [hbm4b:s4+s14], $0x90, s25, s14, $0xb8;
	[tilespmem:$0x1B650] =	vst v63  }
0x95: {  	_ =	swait.ge [sflag:s16], $0x4650  }
0x96: {  	[sflag:s16] =	ssyncset.done $0x0  }
0x97: {  	[sflag:s16] =	ssyncadd.s32 $0xFFFFB9B0  }
0x98: {  	[spmem:s1] =	stream.indirect.scatter.add.f32 [tilespmem:s15], [sflag:$0x2], $0x90, s26, s14, $0xb8;
	[tilespmem:$0x1B650] =	vst v63  }
0x99: {  	_ =	swait.ge [sflag:s12], $0x4650  }
0x9a: {  	[sflag:s12] =	ssyncset.done $0x0  }
0x9b: {  	[sflag:s12] =	ssyncadd.s32 $0xFFFFB9B0  }
0x9c: {  	[tilespmem:s15], [sflag:$0x1] =	stream.indirect.gather [hbm4b:s4+s14], $0x90, s28, s14, $0xb8;
	[tilespmem:$0x1B650] =	vst v63  }
0x9d: {  	_ =	swait.ge [sflag:s16], $0x4650  }
0x9e: {  	[sflag:s16] =	ssyncset.done $0x0  }
0x9f: {  	[sflag:s16] =	ssyncadd.s32 $0xFFFFB9B0  }
0xa0: {  	[spmem:s1] =	stream.indirect.scatter.add.f32 [tilespmem:s15], [sflag:$0x2], $0x90, s29, s14, $0xb8;
	[tilespmem:$0x1B650] =	vst v63  }
0xa1: {  	_ =	swait.ge [sflag:s12], $0x4650  }
0xa2: {  	[sflag:s12] =	ssyncset.done $0x0  }
0xa3: {  	[sflag:s12] =	ssyncadd.s32 $0xFFFFB9B0  }
0xa4: {  	[tilespmem:s15], [sflag:$0x1] =	stream.indirect.gather [hbm4b:s4+s14], $0x90, s30, s14, $0xb8;
	[tilespmem:$0x1B650] =	vst v63  }
0xa5: {  	_ =	swait.ge [sflag:s16], $0x4650  }
.Ltmp0:
0xa6: {  	[sflag:s16] =	ssyncset.done $0x0;
	(pc) =	sbr.rel @p0 .LBB2_2-.Ltmp0, $4  }
0xa7: {  	[sflag:s16] =	ssyncadd.s32 $0xFFFFB9B0  }
0xa8: {  	[spmem:s1] =	stream.indirect.scatter.add.f32 [tilespmem:s15], [sflag:$0x2], $0x90, s31, s14, $0xb8;
	[tilespmem:$0x1B650] =	vst v63  }
0xa9: {  	_ =	swait.ge [sflag:s12], $0x4650  }
0xaa: {  	s5 =	smov.u32 s7;
	[sflag:s12] =	ssyncset.done $0x0  }
0xab: {  	s5 =	sadd.s32 s3, s10;
	[sflag:s12] =	ssyncadd.s32 $0xFFFFB9B0  }
0xac: {  	[tilespmem:s2], [sflag:$0x2] =	stream.linear.gather [hbm4b:s5+s2], $0x400, $0x38;
	[tilespmem:$0x1B650] =	vst v63  }
0xad: {  	_ =	swait.ge [sflag:s12], $0x400  }
0xae: {  	[sflag:s12] =	ssyncset.done $0x0  }
0xaf: {  	s7 =	sadd.s32 s3, s9;
	[sflag:s12] =	ssyncadd.s32 $0xFFFFFC00  }
0xb0: {  	[tilespmem:s13], [sflag:$0x2] =	stream.linear.gather [hbm4b:s7+s2], $0x400, $0x38;
	[tilespmem:$0x1B650] =	vst v63  }
0xb1: {  	_ =	swait.ge [sflag:s12], $0x400  }
0xb2: {  	[sflag:s12] =	ssyncset.done $0x0  }
0xb3: {  	[sflag:s12] =	ssyncadd.s32 $0xFFFFFC00  }
0xb4: {  	[tilespmem:s15], [sflag:$0x1] =	stream.indirect.gather [hbm4b:s4+s14], $0x90, s2, s14, $0xb8;
	[tilespmem:$0x1B650] =	vst v63  }
0xb5: {  	_ =	swait.ge [sflag:s16], $0x4650  }
0xb6: {  	[sflag:s16] =	ssyncset.done $0x0  }
0xb7: {  	[sflag:s16] =	ssyncadd.s32 $0xFFFFB9B0  }
0xb8: {  	[spmem:s1] =	stream.indirect.scatter.add.f32 [tilespmem:s15], [sflag:$0x2], $0x90, s13, s14, $0xb8;
	[tilespmem:$0x1B650] =	vst v63  }
0xb9: {  	_ =	swait.ge [sflag:s12], $0x4650  }
0xba: {  	[sflag:s12] =	ssyncset.done $0x0  }
0xbb: {  	[sflag:s12] =	ssyncadd.s32 $0xFFFFB9B0  }
0xbc: {  	[tilespmem:s15], [sflag:$0x1] =	stream.indirect.gather [hbm4b:s4+s14], $0x90, s17, s14, $0xb8;
	[tilespmem:$0x1B650] =	vst v63  }
0xbd: {  	_ =	swait.ge [sflag:s16], $0x4650  }
0xbe: {  	[sflag:s16] =	ssyncset.done $0x0  }
0xbf: {  	[sflag:s16] =	ssyncadd.s32 $0xFFFFB9B0  }
0xc0: {  	[spmem:s1] =	stream.indirect.scatter.add.f32 [tilespmem:s15], [sflag:$0x2], $0x90, s18, s14, $0xb8;
	[tilespmem:$0x1B650] =	vst v63  }
0xc1: {  	_ =	swait.ge [sflag:s12], $0x4650  }
0xc2: {  	[sflag:s12] =	ssyncset.done $0x0  }
0xc3: {  	[sflag:s12] =	ssyncadd.s32 $0xFFFFB9B0  }
0xc4: {  	[tilespmem:s15], [sflag:$0x1] =	stream.indirect.gather [hbm4b:s4+s14], $0x90, s19, s14, $0xb8;
	[tilespmem:$0x1B650] =	vst v63  }
0xc5: {  	_ =	swait.ge [sflag:s16], $0x4650  }
0xc6: {  	[sflag:s16] =	ssyncset.done $0x0  }
0xc7: {  	[sflag:s16] =	ssyncadd.s32 $0xFFFFB9B0  }
0xc8: {  	[spmem:s1] =	stream.indirect.scatter.add.f32 [tilespmem:s15], [sflag:$0x2], $0x90, s20, s14, $0xb8;
	[tilespmem:$0x1B650] =	vst v63  }
0xc9: {  	_ =	swait.ge [sflag:s12], $0x4650  }
0xca: {  	[sflag:s12] =	ssyncset.done $0x0  }
0xcb: {  	[sflag:s12] =	ssyncadd.s32 $0xFFFFB9B0  }
0xcc: {  	[tilespmem:s15], [sflag:$0x1] =	stream.indirect.gather [hbm4b:s4+s14], $0x90, s21, s14, $0xb8;
	[tilespmem:$0x1B650] =	vst v63  }
0xcd: {  	_ =	swait.ge [sflag:s16], $0x4650  }
0xce: {  	[sflag:s16] =	ssyncset.done $0x0  }
0xcf: {  	[sflag:s16] =	ssyncadd.s32 $0xFFFFB9B0  }
0xd0: {  	[spmem:s1] =	stream.indirect.scatter.add.f32 [tilespmem:s15], [sflag:$0x2], $0x90, s22, s14, $0xb8;
	[tilespmem:$0x1B650] =	vst v63  }
0xd1: {  	_ =	swait.ge [sflag:s12], $0x4650  }
0xd2: {  	[sflag:s12] =	ssyncset.done $0x0  }
0xd3: {  	[sflag:s12] =	ssyncadd.s32 $0xFFFFB9B0  }
0xd4: {  	[tilespmem:s15], [sflag:$0x1] =	stream.indirect.gather [hbm4b:s4+s14], $0x90, s23, s14, $0xb8;
	[tilespmem:$0x1B650] =	vst v63  }
0xd5: {  	_ =	swait.ge [sflag:s16], $0x4650  }
0xd6: {  	[sflag:s16] =	ssyncset.done $0x0  }
0xd7: {  	[sflag:s16] =	ssyncadd.s32 $0xFFFFB9B0  }
0xd8: {  	[spmem:s1] =	stream.indirect.scatter.add.f32 [tilespmem:s15], [sflag:$0x2], $0x90, s24, s14, $0xb8;
	[tilespmem:$0x1B650] =	vst v63  }
0xd9: {  	_ =	swait.ge [sflag:s12], $0x4650  }
0xda: {  	[sflag:s12] =	ssyncset.done $0x0  }
0xdb: {  	[sflag:s12] =	ssyncadd.s32 $0xFFFFB9B0  }
0xdc: {  	[tilespmem:s15], [sflag:$0x1] =	stream.indirect.gather [hbm4b:s4+s14], $0x90, s25, s14, $0xb8;
	[tilespmem:$0x1B650] =	vst v63  }
0xdd: {  	_ =	swait.ge [sflag:s16], $0x4650  }
0xde: {  	[sflag:s16] =	ssyncset.done $0x0  }
0xdf: {  	[sflag:s16] =	ssyncadd.s32 $0xFFFFB9B0  }
0xe0: {  	[spmem:s1] =	stream.indirect.scatter.add.f32 [tilespmem:s15], [sflag:$0x2], $0x90, s26, s14, $0xb8;
	[tilespmem:$0x1B650] =	vst v63  }
0xe1: {  	_ =	swait.ge [sflag:s12], $0x4650  }
0xe2: {  	[sflag:s12] =	ssyncset.done $0x0  }
0xe3: {  	[sflag:s12] =	ssyncadd.s32 $0xFFFFB9B0  }
0xe4: {  	[tilespmem:s15], [sflag:$0x1] =	stream.indirect.gather [hbm4b:s4+s14], $0x90, s28, s14, $0xb8;
	[tilespmem:$0x1B650] =	vst v63  }
0xe5: {  	_ =	swait.ge [sflag:s16], $0x4650  }
0xe6: {  	[sflag:s16] =	ssyncset.done $0x0  }
0xe7: {  	[sflag:s16] =	ssyncadd.s32 $0xFFFFB9B0  }
0xe8: {  	[spmem:s1] =	stream.indirect.scatter.add.f32 [tilespmem:s15], [sflag:$0x2], $0x90, s29, s14, $0xb8;
	[tilespmem:$0x1B650] =	vst v63  }
0xe9: {  	_ =	swait.ge [sflag:s12], $0x4650  }
0xea: {  	[sflag:s12] =	ssyncset.done $0x0  }
0xeb: {  	[sflag:s12] =	ssyncadd.s32 $0xFFFFB9B0  }
0xec: {  	[tilespmem:s15], [sflag:$0x1] =	stream.indirect.gather [hbm4b:s4+s14], $0x90, s30, s14, $0xb8;
	[tilespmem:$0x1B650] =	vst v63  }
0xed: {  	_ =	swait.ge [sflag:s16], $0x4650  }
0xee: {  	[sflag:s16] =	ssyncset.done $0x0  }
0xef: {  	[sflag:s16] =	ssyncadd.s32 $0xFFFFB9B0  }
0xf0: {  	[spmem:s1] =	stream.indirect.scatter.add.f32 [tilespmem:s15], [sflag:$0x2], $0x90, s31, s14, $0xb8;
	[tilespmem:$0x1B650] =	vst v63  }
0xf1: {  	_ =	swait.ge [sflag:s12], $0x4650  }
0xf2: {  	[sflag:s12] =	ssyncset.done $0x0  }
0xf3: {  	[sflag:s12] =	ssyncadd.s32 $0xFFFFB9B0  }
0xf4: {  	[bflag:$0x0] =	sbarrier.arrive $0xFFFF  }
0xf5: {  	s8 =	rddreg [dreg:$0x5]  }
0xf6: {  	s5 =	rddreg [dreg:$0x7]  }
0xf7: {  	[hbm:s8], [sflag:s11] =	dma.local [spmem:s5], $0x2D00  }
0xf8: {  	_ =	swait.ge [sflag:s12], $0x2D00  }
0xf9: {  	s6 =	smov.u32 s11;
	s0 =	sadd.s32 $0x1, s0;
	s11 =	rddreg [dreg:$0x6]  }
0xfa: {  	p0 =	sne.s32 s0, s11  }
.Ltmp1:
0xfb: {  	_ = 	snop;
	(pc) =	sbr.rel @p0 .LBB2_1-.Ltmp1, $3  }
0xfc: {  	_ =	sdelay $0x1  }
0xfd: {  	[sflag:s12] =	ssyncset.done $0x0  }
0xfe: {  	[sflag:s12] =	ssyncadd.s32 $0xFFFFD300  }
0xff: {  	_ =	sfence.sel $0x180000  }
0x100: {  	[bflag:$0x0] =	sbarrier.arrive $0xFFFF  }
0x101: {  	_ =	strace $0x90000047  }
0x102: {  	s0 =	stileid.u32;
	[bflag:$0x2] =	sbarrier.arrive $0xFFFF  }
0x103: {  	p0 =	sne.s32 s0, $0x0;
	s0 =	rddreg [dreg:$0x3]  }
0x104: {  	s0 =	sadd.s32 @!p0 $0x100000, s0  }
0x105: {  	[sflag:s0] =	ssyncadd.tile.s32 @!p0 $0x1;
	_ =	shalt  }
.Lfunc_end2:
_tile_overlayer_lowered:
.L_overlay_start_2:
0x106: {  	(tag) =	ssettag $0x2  }
0x107: {  	s0 =	rddreg [dreg:$0x0];
	s2 =	stileid.u32  }
0x108: {  	s1 =	rddreg [dreg:$0x1];
	p0 =	sne.s32 s2, $0x0  }
0x109: {  	s3 =	rddreg [dreg:$0x2];
	[bflag:$0x3] =	sbarrier.arrive $0xFFFF;
	s2 =	simm.s32 @!p0 $0x1C02  }
0x10a: {  	[timem:s3], [sflag:s2] =	dma.local @!p0 [hbm:s0], s1  }
0x10b: {  	s0 =	simm.s32 @!p0 $0x2  }
0x10c: {  	_ =	swait.ge @!p0 [sflag:s0], s1  }
0x10d: {  	s1 =	ssub.s32 @!p0 $0x0, s1;
	[sflag:s0] =	ssyncset.done @!p0 $0x0  }
0x10e: {  	[sflag:s0] =	ssyncadd.s32 @!p0 s1  }
0x10f: {  	[bflag:$0x3] =	sbarrier.arrive $0xFFFF  }
0x110: {  	_ =	shalt  }

</sc_bundles>
